<compile_context>
chip_gen: v7x
topology: tpu7x:2x2x1
jax: 0.10.2.dev20260603
libtpu: 0.0.44.dev20260713+nightly
codegen_flags: <defaults>
</compile_context>

<pallas_src>
import functools
import math

import jax
import jax.numpy as jnp
from jax import lax
from jax.experimental import pallas as pl
from jax.experimental.pallas import tpu as pltpu
from jax.experimental.pallas import tpu_sc as plsc

N_LEVELS = 16
LOG2_T = 19
T = 2 ** LOG2_T
MASK = T - 1
F = 2
B = 262144
OUTW = N_LEVELS * F
P1 = 2654435761 - 2 ** 32
GW = 8
LSTRIDE = T * F // GW
G4 = 4

_BW = math.exp((math.log(512.0) - math.log(16.0)) / (N_LEVELS - 1))
RES = [int(16 * _BW ** i) for i in range(N_LEVELS)]

ND = 9


def _ceil16(n):
    return (n + 15) & ~15


_DL = [(RES[l] + 1) * (RES[l] + 1) for l in range(ND)]
_PL = [_ceil16(d) for d in _DL]
_DOFF = []
_off = 0
for _p in _PL:
    _DOFF.append(_off)
    _off += 2 * _p
DENSE_WORDS = _off

NW = 32
PPW = B // NW
C = 256
NCHUNK = PPW // C
NV = C // 16
BBLK = B // 128
SB = 8 * C
BCH = 1024


def _sc_body(pts, tab, out, pv, ov, dv,
             iva, sva, gva, wxa, wya,
             ivb, svb, gvb, wxb, wyb, sema, semb):
    wid = lax.axis_index("s") * 2 + lax.axis_index("c")
    lanes = lax.iota(jnp.int32, 16)
    zero16 = lanes * 0
    one16 = zero16 + 1
    bufs = ((iva, sva, gva, wxa, wya, sema),
            (ivb, svb, gvb, wxb, wyb, semb))

    for lev in range(ND):
        r1 = RES[lev] + 1
        pl_sz = _PL[lev]
        doff = _DOFF[lev]
        gbase = lev * LSTRIDE
        nbatch = (pl_sz + BCH - 1) // BCH

        for jb in range(nbatch):
            lo = jb * BCH
            cnt = min(BCH, pl_sz - lo)
            nv16 = cnt // 16

            def bg(j, c, lo=lo, r1=r1, gbase=gbase):
                lin = lanes + (lo + j * 16)
                y = lin // r1
                x = lin - y * r1
                h = (x ^ (y * P1)) & MASK
                iva[pl.ds(j * 16, 16)] = gbase + (h >> 2)
                sva[pl.ds(j * 16, 16)] = (h & 3) * 2
                return c

            lax.fori_loop(0, nv16, bg, 0)
            pltpu.async_copy(tab.at[iva.at[pl.ds(0, cnt)]],
                             gva.at[pl.ds(0, cnt)], sema).wait()

            def bx(j, c, lo=lo, doff=doff, pl_sz=pl_sz):
                row = lanes + j * 16
                col = sva[pl.ds(j * 16, 16)]
                f0 = plsc.load_gather(gva, [row, col])
                f1 = plsc.load_gather(gva, [row, col + one16])
                dv[pl.ds(doff + lo + j * 16, 16)] = f0
                dv[pl.ds(doff + pl_sz + lo + j * 16, 16)] = f1
                return c

            lax.fori_loop(0, nv16, bx, 0)

    def stream_ig(lev, buf):
        iv, sv, gv, wxv, wyv, sem = buf
        rf = float(RES[lev])
        gbase = lev * LSTRIDE

        def ig(s):
            off = ((s >> 7) << 8) + (s & 127)
            fx = pv[pl.ds(off, 16)] * rf
            fy = pv[pl.ds(off + 128, 16)] * rf
            ix = fx.astype(jnp.int32)
            iy = fy.astype(jnp.int32)
            wxv[pl.ds(s, 16)] = fx - ix.astype(jnp.float32)
            wyv[pl.ds(s, 16)] = fy - iy.astype(jnp.float32)
            hy0 = iy * P1
            hy1 = (iy + 1) * P1
            ix1 = ix + 1
            for corner, h in enumerate((
                    (ix ^ hy0) & MASK,
                    (ix ^ hy1) & MASK,
                    (ix1 ^ hy0) & MASK,
                    (ix1 ^ hy1) & MASK,
            )):
                iv[pl.ds(corner * C + s, 16)] = gbase + (h >> 2)
                sv[pl.ds(corner * C + s, 16)] = (h & 3) * 2

        plsc.parallel_loop(0, C, 16, unroll=2)(ig)
        cp0 = pltpu.async_copy(tab.at[iv.at[pl.ds(0, 4 * C)]],
                               gv.at[pl.ds(0, 4 * C)], sem)
        return (cp0,)

    def scatter_out(s, c0, a0, a1):
        ov[c0 // 8, s >> 7, c0 % 8, pl.ds(s & 127, 16)] = a0
        ov[c0 // 8, s >> 7, c0 % 8 + 1, pl.ds(s & 127, 16)] = a1

    def stream_cb(lev, buf):
        iv, sv, gv, wxv, wyv, sem = buf
        c0 = 2 * lev

        def cb(s):
            wx = wxv[pl.ds(s, 16)]
            wy = wyv[pl.ds(s, 16)]
            w00 = (1.0 - wx) * (1.0 - wy)
            w01 = (1.0 - wx) * wy
            w10 = wx * (1.0 - wy)
            w11 = wx * wy
            pt = lanes + s
            f0s = []
            f1s = []
            for corner in range(4):
                col = sv[pl.ds(corner * C + s, 16)]
                f0s.append(plsc.load_gather(gv, [pt + corner * C, col]))
                f1s.append(plsc.load_gather(gv, [pt + corner * C, col + one16]))
            a0 = (w00 * f0s[0] + w01 * f0s[1]) + (w10 * f0s[2] + w11 * f0s[3])
            a1 = (w00 * f1s[0] + w01 * f1s[1]) + (w10 * f1s[2] + w11 * f1s[3])
            scatter_out(s, c0, a0, a1)

        plsc.parallel_loop(0, C, 16, unroll=2)(cb)

    def dense_level(lev):
        rf = float(RES[lev])
        r1 = RES[lev] + 1
        doff = _DOFF[lev]
        pl_sz = _PL[lev]
        c0 = 2 * lev

        def dc(s):
            off = ((s >> 7) << 8) + (s & 127)
            fx = pv[pl.ds(off, 16)] * rf
            fy = pv[pl.ds(off + 128, 16)] * rf
            ix = fx.astype(jnp.int32)
            iy = fy.astype(jnp.int32)
            wx = fx - ix.astype(jnp.float32)
            wy = fy - iy.astype(jnp.float32)
            w00 = (1.0 - wx) * (1.0 - wy)
            w01 = (1.0 - wx) * wy
            w10 = wx * (1.0 - wy)
            w11 = wx * wy
            i00 = iy * r1 + ix + doff
            i01 = i00 + r1
            i10 = i00 + 1
            i11 = i01 + 1
            g00 = plsc.load_gather(dv, [i00])
            g01 = plsc.load_gather(dv, [i01])
            g10 = plsc.load_gather(dv, [i10])
            g11 = plsc.load_gather(dv, [i11])
            h00 = plsc.load_gather(dv, [i00 + pl_sz])
            h01 = plsc.load_gather(dv, [i01 + pl_sz])
            h10 = plsc.load_gather(dv, [i10 + pl_sz])
            h11 = plsc.load_gather(dv, [i11 + pl_sz])
            a0 = (w00 * g00 + w01 * g01) + (w10 * g10 + w11 * g11)
            a1 = (w00 * h00 + w01 * h01) + (w10 * h10 + w11 * h11)
            scatter_out(s, c0, a0, a1)

        plsc.parallel_loop(0, C, 16, unroll=2)(dc)

    def chunk_body(k, carry):
        base = pl.multiple_of(wid * PPW + k * C, 8)
        pltpu.sync_copy(pts.at[pl.ds(base * 2, 2 * C)], pv)

        prev_cp = stream_ig(ND, bufs[0])
        prev_lev = ND

        for lev in range(ND):
            dense_level(lev)

        for lev in range(ND + 1, N_LEVELS):
            buf = bufs[(lev - ND) % 2]
            cps = stream_ig(lev, buf)
            prev_cp[0].wait()
            stream_cb(prev_lev, bufs[(prev_lev - ND) % 2])
            prev_cp = cps
            prev_lev = lev

        prev_cp[0].wait()
        stream_cb(prev_lev, bufs[(prev_lev - ND) % 2])

        bb = base // 128
        for cblk in range(4):
            pltpu.sync_copy(ov.at[cblk], out.at[cblk, pl.ds(bb, C // 128)])
        return carry

    lax.fori_loop(0, NCHUNK, chunk_body, 0)


RLW = 4096
RSPAN = N_LEVELS * T * F // NW


def _relayout_body(tabn, out, ibuf, obuf):
    wid = lax.axis_index("s") * 2 + lax.axis_index("c")
    lanes = lax.iota(jnp.int32, 16)
    base = pl.multiple_of(wid * RSPAN, 8)

    def batch(bt, carry):
        off = base + bt * RLW
        pltpu.sync_copy(tabn.at[pl.ds(off, RLW)], ibuf)

        def step(j):
            b = j >> 3
            k = j & 7
            f0 = ibuf[pl.ds(b * 256 + k * 16, 16)]
            f1 = ibuf[pl.ds(b * 256 + 128 + k * 16, 16)]
            oidx = (b * 256 + k * 32) + lanes * 2
            plsc.store_scatter(obuf, [oidx], f0)
            plsc.store_scatter(obuf, [oidx + 1], f1)

        plsc.parallel_loop(0, RLW // 32, 1, unroll=2)(step)
        pltpu.sync_copy(obuf, out.at[pl.ds(off, RLW)])
        return carry

    lax.fori_loop(0, RSPAN // RLW, batch, 0)


@jax.jit
def _relayout_sc(tabn):
    mesh = plsc.VectorSubcoreMesh(core_axis_name="c", subcore_axis_name="s")
    run = functools.partial(
        pl.kernel,
        mesh=mesh,
        compiler_params=pltpu.CompilerParams(
            needs_layout_passes=False, use_tc_tiling_on_sc=False
        ),
        out_type=jax.ShapeDtypeStruct((N_LEVELS * T * F,), jnp.float32),
        scratch_types=[
            pltpu.VMEM((RLW,), jnp.float32),
            pltpu.VMEM((RLW,), jnp.float32),
        ],
    )(_relayout_body)
    return run(tabn)


@jax.jit
def _hash_encode_sc(pts, tab):
    mesh = plsc.VectorSubcoreMesh(core_axis_name="c", subcore_axis_name="s")
    run = functools.partial(
        pl.kernel,
        mesh=mesh,
        compiler_params=pltpu.CompilerParams(
            needs_layout_passes=False, use_tc_tiling_on_sc=False
        ),
        out_type=jax.ShapeDtypeStruct((4, BBLK, 8, 128), jnp.float32),
        scratch_types=[
            pltpu.VMEM((2 * C,), jnp.float32),
            pltpu.VMEM((4, C // 128, 8, 128), jnp.float32),
            pltpu.VMEM((DENSE_WORDS,), jnp.float32),
            pltpu.VMEM((4 * C,), jnp.int32),
            pltpu.VMEM((4 * C,), jnp.int32),
            pltpu.VMEM((4 * C, GW), jnp.float32),
            pltpu.VMEM((C,), jnp.float32),
            pltpu.VMEM((C,), jnp.float32),
            pltpu.VMEM((4 * C,), jnp.int32),
            pltpu.VMEM((4 * C,), jnp.int32),
            pltpu.VMEM((4 * C, GW), jnp.float32),
            pltpu.VMEM((C,), jnp.float32),
            pltpu.VMEM((C,), jnp.float32),
            pltpu.SemaphoreType.DMA,
            pltpu.SemaphoreType.DMA,
        ],
    )(_sc_body)
    return run(pts, tab)


def kernel(points, hash_idxs, features, resolution):
    pts = jnp.transpose(points.reshape(BBLK, 128, 2), (0, 2, 1)).reshape(2 * B)
    f4 = features.reshape(N_LEVELS, T // 128, 128, F)
    tabn = jnp.transpose(f4, (0, 1, 3, 2)).reshape(N_LEVELS * T * F)
    tab = _relayout_sc(tabn).reshape(N_LEVELS * T * F // GW, GW)
    o4 = _hash_encode_sc(pts, tab)
    out = jnp.transpose(o4, (0, 2, 1, 3)).reshape(OUTW, B)
    return jnp.transpose(out, (1, 0))

# --- scband reference (transcript-rebuilt; emitter-appended) ---
"""Pipeline reference for scband-hash-grid2-d-43482248905254 (READ-ONLY COPY).

The authoritative reference and input builder live on the scoring server;
editing this copy changes nothing except your own understanding.
"""

import jax, jax.numpy as jnp
import numpy as np
import math

N_LEVELS = 16
N_FEAT = 2
LOG2_T = 19
T = 2 ** LOG2_T
NUM_HASHGRID = 1
BASE_RES = (16, 16)
FINEST_RES = (512, 512)
BATCH = 262144


def _make_resolution():
    b_w = math.exp((math.log(FINEST_RES[0]) - math.log(BASE_RES[0])) / (N_LEVELS - 1))
    b_h = math.exp((math.log(FINEST_RES[1]) - math.log(BASE_RES[1])) / (N_LEVELS - 1))
    rw = [int(BASE_RES[0] * b_w ** i) for i in range(N_LEVELS)]
    rh = [int(BASE_RES[1] * b_h ** i) for i in range(N_LEVELS)]
    return jnp.asarray(np.stack([np.array(rw), np.array(rh)], axis=-1), dtype=jnp.int32)


def setup_inputs(seed: int = 0) -> dict:
    key = jax.random.key(seed)
    k1, k2, k3 = jax.random.split(key, 3)
    points = jax.random.uniform(k1, (BATCH, 2), dtype=jnp.float32)
    hash_idxs = jax.random.randint(k2, (BATCH, 1), 0, NUM_HASHGRID, dtype=jnp.int32)
    # xavier-normal-ish init of the learned hash table [G, L, T, F]
    fan_in = N_LEVELS * T
    fan_out = N_FEAT
    std = math.sqrt(2.0 / float(fan_in + fan_out))
    features = jax.random.normal(k3, (NUM_HASHGRID, N_LEVELS, T, N_FEAT), dtype=jnp.float32) * std
    resolution = _make_resolution()
    return {"points": points, "hash_idxs": hash_idxs, "features": features, "resolution": resolution}


def _hash_encode(points, hash_idxs, features, resolution):
    B = points.shape[0]
    G, L, Tt, F = features.shape
    res = resolution.astype(jnp.float32)  # [L, 2]
    pos = points[:, None, :] * res[None, :, :]  # [B, L, 2]
    pos_floor = jnp.floor(pos)
    w = pos - pos_floor  # [B, L, 2] interpolation weights
    pg = pos_floor.astype(jnp.uint32)  # [B, L, 2]
    offsets = jnp.array([[0, 0], [0, 1], [1, 0], [1, 1]], dtype=jnp.uint32)  # [4, 2]
    corners = pg[:, :, None, :] + offsets[None, None, :, :]  # [B, L, 4, 2]
    p0 = jnp.uint32(1)
    p1 = jnp.uint32(2654435761)
    hashed = (corners[..., 0] * p0) ^ (corners[..., 1] * p1)  # [B, L, 4] uint32
    idx = (hashed % jnp.uint32(Tt)).astype(jnp.int32)  # [B, L, 4]
    hi = hash_idxs[:, 0].astype(jnp.int32)  # [B]
    lev = jnp.arange(L, dtype=jnp.int32)
    feats = features[hi[:, None, None], lev[None, :, None], idx]  # [B, L, 4, F]
    wx = jnp.stack([1.0 - w[..., 0], 1.0 - w[..., 0], w[..., 0], w[..., 0]], axis=-1)  # [B, L, 4]
    wy = jnp.stack([1.0 - w[..., 1], w[..., 1], 1.0 - w[..., 1], w[..., 1]], axis=-1)  # [B, L, 4]
    wc = (wx * wy)[..., None]  # [B, L, 4, 1]
    out = jnp.sum(feats * wc, axis=2)  # [B, L, F]
    return out.reshape(B, L * F)


def reference(points, hash_idxs, features, resolution):
    return _hash_encode(points, hash_idxs, features, resolution)

if __name__ == "__main__":
    import jax
    _d = setup_inputs()
    print(jax.jit(kernel)(*tuple(_d.values())))

</pallas_src>

<mosaic_0001>
#map = affine_map<(d0, d1) -> (0)>
module attributes {stable_mosaic.version = 14 : i64} {
  func.func @_relayout_body(%arg0: i32, %arg1: i32, %arg2: memref<16777216xf32, #tpu.memory_space<hbm>>, %arg3: memref<16777216xf32, #tpu.memory_space<hbm>>, %arg4: memref<4096xf32, #tpu.memory_space<vmem>>, %arg5: memref<4096xf32, #tpu.memory_space<vmem>>) attributes {dimension_semantics = [#tpu.dimension_semantics<core_parallel>, #tpu.dimension_semantics<subcore_parallel>], iteration_bounds = array<i64: 2, 16>, scalar_prefetch = 0 : i64, scratch_operands = 2 : i64, tpu.core_type = #tpu.core_type<sc_vector_subcore>, window_params = [{transform_indices = #map}, {transform_indices = #map}]} {
    %mul3A = arith.constant 2 : i32
    %mul3A_0 = arith.muli %arg1, %mul3A : i32
    %add3A = arith.addi %mul3A_0, %arg0 : i32
    %iota3A = tpu.iota {dimensions = array<i32: 0>} : vector<16xi32>
    %mul3A_1 = arith.constant 524288 : i32
    %mul3A_2 = arith.muli %add3A, %mul3A_1 : i32
    %multiple_of3A = tpu.assume_multiple %mul3A_2, 8 : i32
    %scan3A = arith.constant 0 : i32
    %scan3A_3 = arith.constant 0 : i32
    %scan3A_4 = arith.constant 128 : i32
    %scan3A_5 = arith.addi %scan3A_3, %scan3A_4 : i32
    %scan3A_6 = arith.constant 1 : i32
    scf.for %scan3A_8 = %scan3A_3 to %scan3A_5 step %scan3A_6  : i32 {
      %mul3A_9 = arith.constant 4096 : i32
      %mul3A_10 = arith.muli %scan3A_8, %mul3A_9 : i32
      %add3A_11 = arith.addi %multiple_of3A, %mul3A_10 : i32
      "tpu.region"() ({
        %run_scoped3A = tpu.sem_alloc : memref<!tpu.dma_semaphore, #tpu.memory_space<semaphore_mem>>
        %dma_start3A = tpu.memref_slice %arg2[%add3A_11] : memref<16777216xf32, #tpu.memory_space<hbm>> -> memref<4096xf32, #tpu.memory_space<hbm>>
        %dma_start3A_14 = tpu.memref_slice %arg2[%add3A_11] : memref<16777216xf32, #tpu.memory_space<hbm>> -> memref<4096xf32, #tpu.memory_space<hbm>>
        tpu.enqueue_dma source(%dma_start3A_14 : memref<4096xf32, #tpu.memory_space<hbm>>) target(%arg4 : memref<4096xf32, #tpu.memory_space<vmem>>) target_semaphore(%run_scoped3A : memref<!tpu.dma_semaphore, #tpu.memory_space<semaphore_mem>>)
        %dma_wait3A = tpu.memref_slice %arg2[%add3A_11] : memref<16777216xf32, #tpu.memory_space<hbm>> -> memref<4096xf32, #tpu.memory_space<hbm>>
        %dma_wait3A_15 = tpu.memref_slice %arg2[%add3A_11] : memref<16777216xf32, #tpu.memory_space<hbm>> -> memref<4096xf32, #tpu.memory_space<hbm>>
        tpu.wait_dma2 semaphore(%run_scoped3A : memref<!tpu.dma_semaphore, #tpu.memory_space<semaphore_mem>>) src(%dma_wait3A_15 : memref<4096xf32, #tpu.memory_space<hbm>>) dst(%arg4 : memref<4096xf32, #tpu.memory_space<vmem>>)
        tpu.yield
      }) : () -> ()
      %parallel_loop3A = arith.constant 0 : i32
      %parallel_loop3A_12 = arith.constant 128 : i32
      %parallel_loop3A_13 = arith.constant 1 : i32
      scf.for %parallel_loop3A_14 = %parallel_loop3A to %parallel_loop3A_12 step %parallel_loop3A_13  : i32 {
        %parallel_loop3A_15 = arith.constant 3 : i32
        %parallel_loop3A_16 = arith.shrsi %parallel_loop3A_14, %parallel_loop3A_15 : i32
        %parallel_loop3A_17 = arith.constant 7 : i32
        %parallel_loop3A_18 = arith.andi %parallel_loop3A_14, %parallel_loop3A_17 : i32
        %parallel_loop3A_19 = arith.constant 256 : i32
        %parallel_loop3A_20 = arith.muli %parallel_loop3A_16, %parallel_loop3A_19 : i32
        %parallel_loop3A_21 = arith.constant 16 : i32
        %parallel_loop3A_22 = arith.muli %parallel_loop3A_18, %parallel_loop3A_21 : i32
        %parallel_loop3A_23 = arith.addi %parallel_loop3A_20, %parallel_loop3A_22 : i32
        %parallel_loop3A_24 = arith.index_cast %parallel_loop3A_23 : i32 to index
        %parallel_loop3A_25 = tpu.vector_load %arg4[%parallel_loop3A_24] {strides = array<i32>} : memref<4096xf32, #tpu.memory_space<vmem>>, vector<16xf32>,
        %parallel_loop3A_26 = arith.constant 256 : i32
        %parallel_loop3A_27 = arith.muli %parallel_loop3A_16, %parallel_loop3A_26 : i32
        %parallel_loop3A_28 = arith.constant 128 : i32
        %parallel_loop3A_29 = arith.addi %parallel_loop3A_27, %parallel_loop3A_28 : i32
        %parallel_loop3A_30 = arith.constant 16 : i32
        %parallel_loop3A_31 = arith.muli %parallel_loop3A_18, %parallel_loop3A_30 : i32
        %parallel_loop3A_32 = arith.addi %parallel_loop3A_29, %parallel_loop3A_31 : i32
        %parallel_loop3A_33 = arith.index_cast %parallel_loop3A_32 : i32 to index
        %parallel_loop3A_34 = tpu.vector_load %arg4[%parallel_loop3A_33] {strides = array<i32>} : memref<4096xf32, #tpu.memory_space<vmem>>, vector<16xf32>,
        %parallel_loop3A_35 = arith.constant 256 : i32
        %parallel_loop3A_36 = arith.muli %parallel_loop3A_16, %parallel_loop3A_35 : i32
        %parallel_loop3A_37 = arith.constant 32 : i32
        %parallel_loop3A_38 = arith.muli %parallel_loop3A_18, %parallel_loop3A_37 : i32
        %parallel_loop3A_39 = arith.addi %parallel_loop3A_36, %parallel_loop3A_38 : i32
        %parallel_loop3A_40 = arith.constant 2 : i32
        %parallel_loop3A_41 = vector.broadcast %parallel_loop3A_40 : i32 to vector<16xi32>
        %parallel_loop3A_42 = arith.muli %iota3A, %parallel_loop3A_41 : vector<16xi32>
        %parallel_loop3A_43 = vector.broadcast %parallel_loop3A_39 : i32 to vector<16xi32>
        %parallel_loop3A_44 = arith.addi %parallel_loop3A_43, %parallel_loop3A_42 : vector<16xi32>
        tpu.vector_store_idx %arg5[%parallel_loop3A_44], %parallel_loop3A_25 : memref<4096xf32, #tpu.memory_space<vmem>>[vector<16xi32>], vector<16xf32>,
        %parallel_loop3A_45 = arith.constant 1 : i32
        %parallel_loop3A_46 = vector.broadcast %parallel_loop3A_45 : i32 to vector<16xi32>
        %parallel_loop3A_47 = arith.addi %parallel_loop3A_44, %parallel_loop3A_46 : vector<16xi32>
        tpu.vector_store_idx %arg5[%parallel_loop3A_47], %parallel_loop3A_34 : memref<4096xf32, #tpu.memory_space<vmem>>[vector<16xi32>], vector<16xf32>,
      } {sc.loop_unroll_factor = 2 : i64, sc.parallel_access}
      "tpu.region"() ({
        %run_scoped3A = tpu.sem_alloc : memref<!tpu.dma_semaphore, #tpu.memory_space<semaphore_mem>>
        %dma_start3A = tpu.memref_slice %arg3[%add3A_11] : memref<16777216xf32, #tpu.memory_space<hbm>> -> memref<4096xf32, #tpu.memory_space<hbm>>
        %dma_start3A_14 = tpu.memref_slice %arg3[%add3A_11] : memref<16777216xf32, #tpu.memory_space<hbm>> -> memref<4096xf32, #tpu.memory_space<hbm>>
        tpu.enqueue_dma source(%arg5 : memref<4096xf32, #tpu.memory_space<vmem>>) target(%dma_start3A_14 : memref<4096xf32, #tpu.memory_space<hbm>>) target_semaphore(%run_scoped3A : memref<!tpu.dma_semaphore, #tpu.memory_space<semaphore_mem>>)
        %dma_wait3A = tpu.memref_slice %arg3[%add3A_11] : memref<16777216xf32, #tpu.memory_space<hbm>> -> memref<4096xf32, #tpu.memory_space<hbm>>
        %dma_wait3A_15 = tpu.memref_slice %arg3[%add3A_11] : memref<16777216xf32, #tpu.memory_space<hbm>> -> memref<4096xf32, #tpu.memory_space<hbm>>
        tpu.wait_dma2 semaphore(%run_scoped3A : memref<!tpu.dma_semaphore, #tpu.memory_space<semaphore_mem>>) src(%arg5 : memref<4096xf32, #tpu.memory_space<vmem>>) dst(%dma_wait3A_15 : memref<4096xf32, #tpu.memory_space<hbm>>)
        tpu.yield
      }) : () -> ()
    }
    %scan3A_7 = arith.constant 128 : i32
    return
  }
}

</mosaic_0001>

<sc_bundles>
// kernel: _relayout_sc.3.cloned.1.call-start
scs
__scs_entry_jumppad:
0x0: {  	(pc) =	sbr.rel $0x88, $3  }
0x1: {  	(tag) =	ssettag $0x0;
	lr =	simm.s32 $0x1  }
0x2: {  	[smem:$0x3FA0] =	sst lr;
	_ =	strace $0xD0000000  }
0x3: {  	_ = 	snop  }
0x4: {  	_ = 	snop  }
0x5: {  	_ = 	snop  }
0x6: {  	_ = 	snop  }
0x7: {  	_ = 	snop  }
__scs_overlays_trampoline_lowered:
0x8: {  	[smem:$0x3FAF] =	sst s0  }
0x9: {  	[smem:$0x3FB0] =	sst s1  }
0xa: {  	[smem:$0x3FB1] =	sst s2  }
0xb: {  	[smem:$0x3FB2] =	sst s3  }
0xc: {  	[smem:$0x3FB3] =	sst s4  }
0xd: {  	[smem:$0x3FB4] =	sst s5  }
0xe: {  	[smem:$0x3FB5] =	sst s6  }
0xf: {  	[smem:$0x3FB6] =	sst s7  }
0x10: {  	[smem:$0x3FB7] =	sst s8  }
0x11: {  	[smem:$0x3FB8] =	sst s9;
	s0 =	simm.s32 @!p0 $0x0  }
0x12: {  	s1 =	sld [smem:$0x3F9E];
	s0 =	simm.s32 @p0 $0x1  }
0x13: {  	[smem:$0x3FB9] =	sst s0;
	s0 =	simm.s32 @!p1 $0x0  }
0x14: {  	s2 =	sld [smem:$0x3F9D];
	s0 =	simm.s32 @p1 $0x1  }
0x15: {  	[smem:$0x3FBA] =	sst s0;
	s0 =	simm.s32 @!p2 $0x0  }
0x16: {  	s3 =	sld [smem:$0x3FDB];
	s0 =	simm.s32 @p2 $0x1  }
0x17: {  	s4 =	simm.s32 $0x1BF5;
	[smem:$0x3FBC] =	sst s0  }
0x18: {  	s0 =	sld [smem:$0x3F9F];
	_ =	swait.ge [sflag:s4], $0x0  }
0x19: {  	s7 =	sld [smem:$0x3FA0]  }
0x1a: {  	s8 =	sadd.s32 $0xFFFFE003, lr  }
0x1b: {  	s9 =	sadd.s32 $0xFFFFFEF7, lr;
	s5 =	simm.s32 $0xFFFFFFFF;
	p2 =	slt.u32 s8, $0xFFFFF086  }
0x1c: {  	p1 =	slt.u32 s9, $0xF7A;
	s5 =	simm.s32 @!p2 $0x0  }
0x1d: {  	s5 =	simm.s32 @p1 $0x1;
	p0 =	seq.s32 s7, s2  }
0x1e: {  	s7 =	smul.u32 @!p0 $0xF7A, s2;
	p2 =	seq.s32 @!p0 s5, $0x0  }
0x1f: {  	s9 =	smul.u32 $0xF7A, s1;
	s8 =	simm.s32 @!p0 $0x1BF5;
	p2 =	por !p2, p0  }
0x20: {  	[sflag:s8] =	ssyncset.s32 @!p0 $0xFFFFF086;
	s6 =	sadd.s32 @!p0 s3, s7;
	s7 =	simm.s32 @!p0 $0x108  }
0x21: {  	s3 =	sadd.s32 s3, s9;
	s6 =	sadd.s32 @!p0 $0x88, s6;
	s7 =	simm.s32 @p2 $0x1082  }
0x22: {  	[simem:s7], [sflag:s8] =	dma.local @!p0 [hbm:s6], $0xF7A  }
0x23: {  	s9 =	sor.u32 $0xD0000000, s2;
	s6 =	simm.s32 $0x108;
	_ =	swait.ge @!p0 [sflag:s8], $0x0  }
0x24: {  	s3 =	sadd.s32 $0x88, s3;
	s6 =	simm.s32 @!p1 $0x1082;
	[sflag:s4] =	ssyncset.s32 $0xFFFFF086  }
0x25: {  	[simem:s6], [sflag:s4] =	dma.local [hbm:s3], $0xF7A  }
0x26: {  	[smem:$0x3FA0] =	sst s1;
	(tag) =	ssettag s2;
	_ =	strace s9  }
0x27: {  	s1 =	sld [smem:$0x3FB0]  }
0x28: {  	s2 =	sld [smem:$0x3FB1]  }
0x29: {  	s4 =	sld [smem:$0x3FB3]  }
0x2a: {  	p0 =	seq.s32 s5, $0x0;
	s5 =	sld [smem:$0x3FB4]  }
0x2b: {  	s6 =	sld [smem:$0x3FB5]  }
0x2c: {  	s7 =	sld [smem:$0x3FB6]  }
0x2d: {  	s3 =	simm.s32 $0x108;
	s8 =	sld [smem:$0x3FB7]  }
0x2e: {  	s3 =	simm.s32 @!p0 $0x1082;
	s9 =	sld [smem:$0x3FB8]  }
0x2f: {  	lr =	sadd.s32 s0, s3;
	s0 =	sld [smem:$0x3FAF]  }
0x30: {  	s3 =	sld [smem:$0x3FB2]  }
0x31: {  	[smem:$0x3FBB] =	sst s10  }
0x32: {  	s10 =	sld [smem:$0x3FB9];
	_ =	sdelay $0x3  }
0x33: {  	p0 =	seq.s32 s10, $0x1;
	s10 =	sld [smem:$0x3FBB];
	_ =	sdelay $0x3  }
0x34: {  	[smem:$0x3FBB] =	sst s10  }
0x35: {  	s10 =	sld [smem:$0x3FBA];
	_ =	sdelay $0x3  }
0x36: {  	p1 =	seq.s32 s10, $0x1;
	s10 =	sld [smem:$0x3FBB];
	_ =	sdelay $0x3  }
0x37: {  	[smem:$0x3FBB] =	sst s10  }
0x38: {  	s10 =	sld [smem:$0x3FBC]  }
0x39: {  	_ = 	snop;
	(pc) =	sbr.ind lr, $3  }
0x3a: {  	_ = 	snop  }
0x3b: {  	_ = 	snop  }
0x3c: {  	p2 =	seq.s32 s10, $0x1;
	s10 =	sld [smem:$0x3FBB]  }
0x3d: {  	_ =	shalt  }
0x3e: {  	_ =	shalt  }
0x3f: {  	_ =	shalt  }
0x40: {  	_ =	shalt  }
0x41: {  	_ =	shalt  }
0x42: {  	_ =	shalt  }
0x43: {  	_ =	shalt  }
0x44: {  	_ =	shalt  }
0x45: {  	_ =	shalt  }
0x46: {  	_ =	shalt  }
0x47: {  	_ =	shalt  }
0x48: {  	_ =	shalt  }
0x49: {  	_ =	shalt  }
0x4a: {  	_ =	shalt  }
0x4b: {  	_ =	shalt  }
0x4c: {  	_ =	shalt  }
0x4d: {  	_ =	shalt  }
0x4e: {  	_ =	shalt  }
0x4f: {  	_ =	shalt  }
0x50: {  	_ =	shalt  }
0x51: {  	_ =	shalt  }
0x52: {  	_ =	shalt  }
0x53: {  	_ =	shalt  }
0x54: {  	_ =	shalt  }
0x55: {  	_ =	shalt  }
0x56: {  	_ =	shalt  }
0x57: {  	_ =	shalt  }
0x58: {  	_ =	shalt  }
0x59: {  	_ =	shalt  }
0x5a: {  	_ =	shalt  }
0x5b: {  	_ =	shalt  }
0x5c: {  	_ =	shalt  }
0x5d: {  	_ =	shalt  }
0x5e: {  	_ =	shalt  }
0x5f: {  	_ =	shalt  }
0x60: {  	_ =	shalt  }
0x61: {  	_ =	shalt  }
0x62: {  	_ =	shalt  }
0x63: {  	_ =	shalt  }
0x64: {  	_ =	shalt  }
0x65: {  	_ =	shalt  }
0x66: {  	_ =	shalt  }
0x67: {  	_ =	shalt  }
0x68: {  	_ =	shalt  }
0x69: {  	_ =	shalt  }
0x6a: {  	_ =	shalt  }
0x6b: {  	_ =	shalt  }
0x6c: {  	_ =	shalt  }
0x6d: {  	_ =	shalt  }
0x6e: {  	_ =	shalt  }
0x6f: {  	_ =	shalt  }
0x70: {  	_ =	shalt  }
0x71: {  	_ =	shalt  }
0x72: {  	_ =	shalt  }
0x73: {  	_ =	shalt  }
0x74: {  	_ =	shalt  }
0x75: {  	_ =	shalt  }
0x76: {  	_ =	shalt  }
0x77: {  	_ =	shalt  }
0x78: {  	_ =	shalt  }
0x79: {  	_ =	shalt  }
0x7a: {  	_ =	shalt  }
0x7b: {  	_ =	shalt  }
0x7c: {  	_ =	shalt  }
0x7d: {  	_ =	shalt  }
0x7e: {  	_ =	shalt  }
0x7f: {  	_ =	shalt  }
0x80: {  	_ =	shalt  }
0x81: {  	_ =	shalt  }
0x82: {  	_ =	shalt  }
0x83: {  	_ =	shalt  }
0x84: {  	_ =	shalt  }
0x85: {  	_ =	shalt  }
0x86: {  	_ =	shalt  }
0x87: {  	_ =	shalt  }
.Lfunc_end0:
.L_simem_size_0:
called_computation_lowered:
.L_overlay_start_0:
0x88: {  	s2 =	sld [smem:$0x3FD9]  }
0x89: {  	s3 =	sld [smem:$0x3FFE];
	_ =	sdelay $0x1  }
0x8a: {  	s1 =	srdreg.scid  }
0x8b: {  	s0 =	sand.u32 $0x1, s1  }
0x8c: {  	s18 =	sshll.u32 s0, $0xA;
	s2 =	sadd.s32 s3, s2  }
0x8d: {  	s2 =	sadd.s32 s2, s18  }
0x8e: {  	[smem:$0x3FC7] =	sst s2  }
0x8f: {  	_ = 	snop  }
0x90: {  	s2 =	sld [smem:$0x3FC9]  }
0x91: {  	s19 =	sld [smem:$0x3FD0];
	(tm) =	ssettm $0x1  }
0x92: {  	s4 =	sld [smem:$0x3FFB];
	_ =	sdelay $0x3  }
0x93: {  	_ =	strace s4  }
0x94: {  	s4 =	sld [smem:$0x3FFC];
	_ =	sdelay $0x3  }
0x95: {  	_ =	strace s4  }
0x96: {  	s4 =	sld [smem:$0x3FFD];
	_ =	sdelay $0x3  }
0x97: {  	_ =	strace s4  }
0x98: {  	_ =	strace $0x8FFFFFFF  }
0x99: {  	s20 =	sld [smem:$0x3FDB];
	_ =	sdelay $0x1  }
0x9a: {  	s5 =	simm.s32 $_scs_section_size  }
0x9b: {  	s6 =	simm.s32 $_size__tile_overlayer_lowered;
	s7 =	simm.s32 $_tile_overlayer_lowered  }
0x9c: {  	s23 =	simm.s32 $0x1BFF;
	s22 =	sshll.u32 s7, $0x1;
	s4 =	sadd.s32 s5, s20  }
0x9d: {  	s8 =	simm.s32 $0x0;
	s21 =	sshll.u32 s6, $0x1;
	s6 =	sadd.s32 s22, s4  }
0x9e: {  	[timem:s8], [sflag:s23] =	dma.local [hbm:s6], s21  }
0x9f: {  	_ =	swait.ge [sflag:s23], s21  }
0xa0: {  	s5 =	ssub.s32 $0x0, s21;
	[sflag:s23] =	ssyncset.done $0x0  }
0xa1: {  	[sflag:s23] =	ssyncadd.s32 s5;
	_ =	sdelay $0x1  }
0xa2: {  	s24 =	simm.s32 $0x1B8B  }
0xa3: {  	_ =	swait.ge [sflag:s24], $0x1  }
0xa4: {  	[sflag:s24] =	ssyncset.done $0x0  }
0xa5: {  	s25 =	simm.s32 $0x1B8E;
	[sflag:s24] =	ssyncadd.s32 $0xFFFFFFFF  }
0xa6: {  	s26 =	simm.s32 $execute0_lowered;
	[smem:$0x3FD2] =	sst s25  }
0xa7: {  	s5 =	sshll.u32 s26, $0x1;
	_ =	strace $0x80000046;
	[dreg:$0x1] =	wrdreg $0xFFFFFFFF  }
0xa8: {  	s28 =	simm.s32 $_size_execute0_lowered;
	s4 =	sadd.s32 s4, s5;
	[dreg:$0x0] =	wrdreg $0x0  }
0xa9: {  	s5 =	sshll.u32 s28, $0x1;
	[dreg:$0x2] =	wrdreg s4  }
0xaa: {  	[dreg:$0x3] =	wrdreg s5  }
0xab: {  	[dreg:$0x4] =	wrdreg $0xC0  }
0xac: {  	_ =	task [dreg:s8], $0x5FFFF  }
0xad: {  	[dreg:$0x1] =	wrdreg $0xFFFFFFFF  }
0xae: {  	[dreg:$0x0] =	wrdreg $0x60  }
0xaf: {  	[dreg:$0x2] =	wrdreg s2  }
0xb0: {  	[dreg:$0x3] =	wrdreg s19  }
0xb1: {  	[dreg:$0x4] =	wrdreg $0x9  }
0xb2: {  	_ =	task.clear_ibuf [dreg:s8], $0x5FFFF;
	_ =	strace $0x90000046  }
0xb3: {  	s29 =	simm.s32 $0x9;
	_ =	strace $0x80000048  }
0xb4: {  	_ =	swait.ge [sflag:s29], $0x1  }
0xb5: {  	[sflag:s29] =	ssyncadd.s32 $0xFFFFFFFF  }
0xb6: {  	_ =	strace $0x90000048  }
0xb7: {  	_ =	sfence  }
0xb8: {  	s30 =	sld [smem:$0x0];
	_ =	sdelay $0x2  }
0xb9: {  	s31 =	sshll.u32 s1, $0xD;
	s1 =	sshrl.u32 s1, $0x2  }
0xba: {  	s3 =	sand.u32 $0x4000, s31;
	s1 =	sadd.s32 s1, s30  }
0xbb: {  	s0 =	sor.u32 s3, s0;
	s1 =	sshll.u32 s1, $0x11  }
0xbc: {  	s0 =	sor.u32 s1, s0  }
0xbd: {  	s0 =	sadd.s32 $0x8F2B, s0  }
0xbe: {  	[sflag:s0] =	ssyncadd.remote.s32 $0x1  }
0xbf: {  	_ =	sfence.sel $0xFFFF  }
0xc0: {  	[dreg:$0x0] =	wrdreg $0xFFFFFFFF;
	(pc) =	sbr.abs _section_cstart, $3  }
0xc1: {  	[dreg:$0x1] =	wrdreg $0xFFFFFFFF  }
0xc2: {  	_ =	task.clear_ibuf [dreg:s8], $0x2FFFF;
	_ =	strace $0x9FFFFFFF  }
0xc3: {  	(tm) =	ssettm $0x7FFFFFFF  }
tec
execute0_lowered:
.L_overlay_start_1:
0x0: {  	(tag) =	ssettag $0x1  }
0x1: {  	s1 =	rddreg [dreg:$0x0]  }
0x2: {  	s0 =	srdreg.scid;
	s2 =	rddreg [dreg:$0x1];
	s4 =	simm.s32 $0x0  }
0x3: {  	v0 =	vlaneseq.u32;
	s3 =	stileid.u32;
	s8 =	simm.s32 $0x1000;
	s5 =	sand.u32 $0x1, s0  }
0x4: {  	s9 =	simm.s32 $0x0;
	s0 =	rddreg [dreg:$0x2];
	v1 =	vand.u32 $0x3, v0;
	s6 =	ssub.s32 $0x2, s5  }
0x5: {  	[smem:$0x7FF] =	sst s4;
	s31 =	sshll.u32 s3, $0x11;
	v0 =	vmul.u32 $0x2, v0;
	v3 =	vmul.u32 $0x2, v1;
	s7 =	sshrl.u32 s6, $0x1  }
0x6: {  	s5 =	sshll.u32 s5, $0x10;
	_ =	strace $0x80000047;
	s6 =	ssub.s32 s6, s7  }
0x7: {  	s5 =	sor.u32 s5, s31;
	v2 =	vor.u32 $0x1, v0;
	s7 =	simm.s32 $0x1;
	v1 =	vor.u32 $0xFFFFFFD8, v3;
	v3 =	vor.u32 $0xFFFFFFF8, v3;
	s6 =	smax.u32 s6, $0x1  }
.LBB2_1:
0x8: {  	s10 =	simm.s32 $0x0  }
.LBB2_2:
0x9: {  	s11 =	sshll.u32 s10, $0x9  }
0xa: {  	s11 =	sadd.s32 s5, s11  }
0xb: {  	s13 =	simm.s32 $0x0;
	s29 =	simm.s32 $0x0;
	s12 =	sadd.s32 s1, s11  }
0xc: {  	[tilespmem:s13], [sflag:$0x1] =	stream.linear.gather [hbm4b:s12+s13], $0x1000, $0x38;
	[tilespmem:$0x2000] =	vst v63  }
0xd: {  	s12 =	sand.u32 $0x6, s29  }
0xe: {  	s14 =	sor.u32 $0x1, s12  }
0xf: {  	s13 =	sand.u32 $0xF00, s13;
	_ =	swait.ge [sflag:s7], $0x1000;
	s15 =	sshll.u32 s14, $0x5  }
0x10: {  	[sflag:s7] =	ssyncset.done $0x0;
	s14 =	sshll.u32 s14, $0x4;
	s16 =	sor.u32 s13, s15  }
0x11: {  	[sflag:s7] =	ssyncadd.s32 $0xFFFFF000;
	s14 =	sor.u32 s14, s13;
	v4 =	vor.u32 s16, v0  }
0x12: {  	s30 =	sshll.u32 s12, $0x4;
	s17 =	sshll.u32 s12, $0x5;
	s12 =	simm.s32 $0x2;
	v12 =	vld [tilespmem:s14+$0x0];
	v13 =	vand.u32 v3, v4  }
0x13: {  	s17 =	sor.u32 s17, s13;
	s18 =	sand.u32 $0x6, s12;
	s15 =	sor.u32 s30, s13  }
0x14: {  	s19 =	sshll.u32 s18, $0x4;
	s20 =	sor.u32 $0x1, s18;
	s13 =	simm.s32 $0x40;
	v7 =	vor.u32 s17, v0;
	v6 =	vld [tilespmem:s14+$0x80];
	v10 =	vor.u32 s16, v2  }
0x15: {  	s18 =	sshll.u32 s18, $0x5;
	v9 =	vld [tilespmem:s15+$0x0];
	s21 =	sand.u32 $0xF00, s13;
	s22 =	sshll.u32 s20, $0x5;
	v8 =	vand.u32 v1, v7  }
0x16: {  	v5 =	vld [tilespmem:s15+$0x80];
	s31 =	sshll.u32 s20, $0x4;
	v4 =	vor.u32 s17, v2;
	s14 =	sor.u32 s19, s21;
	s15 =	sor.u32 s21, s22  }
0x17: {  	s17 =	sor.u32 s18, s21;
	s16 =	sor.u32 s31, s21;
	v7 =	vld [tilespmem:s14+$0x0];
	v11 =	vor.u32 s15, v0;
	[tilespmem:v13+s8+$0x0] =	vst.idx.msk $0xffff, v12  }
.LBB2_3:
0x18: {  	s12 =	sadd.s32 $0x2, s12  }
0x19: {  	v12 =	vor.u32 s17, v0;
	v13 =	vor.u32 s17, v2;
	v14 =	vld [tilespmem:s16+$0x0];
	v15 =	vand.u32 v3, v11;
	[tilespmem:v10+s8+$0x0] =	vst.idx.msk $0xffff, v6;
	p0 =	slt.u32 s12, $0x7E  }
.Ltmp0:
0x1a: {  	v10 =	vor.u32 s15, v2;
	s17 =	sand.u32 $0x6, s12;
	v6 =	vld [tilespmem:s16+$0x80];
	[tilespmem:v8+s8+$0x0] =	vst.idx.msk $0xffff, v9;
	v8 =	vand.u32 v1, v12;
	(pc) =	sbr.rel @p0 .LBB2_3-.Ltmp0, $4  }
0x1b: {  	s13 =	sadd.s32 $0x40, s13;
	s15 =	sshll.u32 s17, $0x4;
	s16 =	sor.u32 $0x1, s17;
	[tilespmem:v4+s8+$0x0] =	vst.idx.msk $0xffff, v5;
	v5 =	vld [tilespmem:s14+$0x80];
	v4 =	vmov v13  }
0x1c: {  	s18 =	sand.u32 $0xF00, s13;
	s17 =	sshll.u32 s17, $0x5;
	s19 =	sshll.u32 s16, $0x5  }
0x1d: {  	s14 =	sor.u32 s15, s18;
	s16 =	sshll.u32 s16, $0x4;
	s15 =	sor.u32 s18, s19;
	v9 =	vmov v7  }
0x1e: {  	s17 =	sor.u32 s17, s18;
	s16 =	sor.u32 s16, s18;
	v7 =	vld [tilespmem:s14+$0x0];
	v11 =	vor.u32 s15, v0;
	[tilespmem:v15+s8+$0x0] =	vst.idx.msk $0xffff, v14  }
0x1f: {  	_ =	sdelay $0x1  }
0x20: {  	v12 =	vld [tilespmem:s16+$0x0];
	v11 =	vand.u32 v3, v11  }
0x21: {  	v13 =	vor.u32 s17, v0;
	v14 =	vld [tilespmem:s16+$0x80];
	v15 =	vor.u32 s15, v2  }
0x22: {  	[tilespmem:v10+s8+$0x0] =	vst.idx.msk $0xffff, v6;
	v61 =	vand.u32 v1, v13  }
0x23: {  	v62 =	vor.u32 s17, v2;
	[tilespmem:v8+s8+$0x0] =	vst.idx.msk $0xffff, v9;
	v63 =	vld [tilespmem:s14+$0x80]  }
0x24: {  	[tilespmem:v4+s8+$0x0] =	vst.idx.msk $0xffff, v5  }
0x25: {  	[tilespmem:v11+s8+$0x0] =	vst.idx.msk $0xffff, v12  }
0x26: {  	s10 =	sadd.s32 $0x1, s10;
	[tilespmem:v15+s8+$0x0] =	vst.idx.msk $0xffff, v14  }
0x27: {  	p0 =	sne.s32 s10, $0x80;
	[tilespmem:v61+s8+$0x0] =	vst.idx.msk $0xffff, v7  }
.Ltmp1:
0x28: {  	s11 =	sadd.s32 s2, s11;
	[tilespmem:v62+s8+$0x0] =	vst.idx.msk $0xffff, v63;
	(pc) =	sbr.rel @p0 .LBB2_2-.Ltmp1, $4  }
0x29: {  	[hbm4b:s11+s4] =	stream.linear.scatter [tilespmem:s8], [sflag:$0x1], $0x1000, $0x38;
	[tilespmem:$0x2000] =	vst v63  }
0x2a: {  	_ =	swait.ge [sflag:s7], $0x1000  }
0x2b: {  	[sflag:s7] =	ssyncset.done $0x0  }
0x2c: {  	[sflag:s7] =	ssyncadd.s32 $0xFFFFF000  }
0x2d: {  	s9 =	sadd.s32 $0x1, s9  }
0x2e: {  	p0 =	sne.s32 s9, s6  }
.Ltmp2:
0x2f: {  	_ = 	snop;
	(pc) =	sbr.rel @p0 .LBB2_1-.Ltmp2, $1  }
0x30: {  	_ =	sdelay $0x3  }
0x31: {  	_ =	sfence.sel $0x180000  }
0x32: {  	[bflag:$0x0] =	sbarrier.arrive $0xFFFF  }
0x33: {  	p0 =	sne.s32 s3, $0x0;
	_ =	strace $0x90000047  }
0x34: {  	s0 =	sadd.s32 @!p0 $0x100000, s0;
	[bflag:$0x2] =	sbarrier.arrive $0xFFFF  }
0x35: {  	[sflag:s0] =	ssyncadd.tile.s32 @!p0 $0x1;
	_ =	shalt  }
.Lfunc_end2:
_tile_overlayer_lowered:
.L_overlay_start_2:
0x36: {  	(tag) =	ssettag $0x2  }
0x37: {  	s0 =	rddreg [dreg:$0x0];
	s2 =	stileid.u32  }
0x38: {  	s1 =	rddreg [dreg:$0x1];
	p0 =	sne.s32 s2, $0x0  }
0x39: {  	s3 =	rddreg [dreg:$0x2];
	[bflag:$0x3] =	sbarrier.arrive $0xFFFF;
	s2 =	simm.s32 @!p0 $0x1C01  }
0x3a: {  	[timem:s3], [sflag:s2] =	dma.local @!p0 [hbm:s0], s1  }
0x3b: {  	s0 =	simm.s32 @!p0 $0x1  }
0x3c: {  	_ =	swait.ge @!p0 [sflag:s0], s1  }
0x3d: {  	s1 =	ssub.s32 @!p0 $0x0, s1;
	[sflag:s0] =	ssyncset.done @!p0 $0x0  }
0x3e: {  	[sflag:s0] =	ssyncadd.s32 @!p0 s1  }
0x3f: {  	[bflag:$0x3] =	sbarrier.arrive $0xFFFF  }
0x40: {  	_ =	shalt  }

</sc_bundles>
